<compile_context>
chip_gen: v7x
topology: tpu7x:2x2x1
jax: 0.10.2.dev20260603
libtpu: 0.0.44.dev20260713+nightly
codegen_flags: <defaults>
</compile_context>

<pallas_src>
import jax
import jax.numpy as jnp
from jax import lax
from jax.experimental import pallas as pl
from jax.experimental.pallas import tpu as pltpu
from jax.experimental.pallas import tpu_sc as plsc


NT = 1024
GRID = 4096 // NT


def _sc_route(sl_hbm, il_hbm, ss_hbm, is_hbm, ol_hbm, os_hbm,
              idxl_v, rowsl_v, idxs_v, rowss_v, sem):
    w = lax.axis_index("s") * 2 + lax.axis_index("c")
    base = w * 32
    pltpu.sync_copy(il_hbm.at[pl.ds(base, 32)], idxl_v)
    pltpu.async_copy(sl_hbm.at[idxl_v], rowsl_v, sem).wait()
    pltpu.sync_copy(rowsl_v, ol_hbm.at[pl.ds(base, 32)])
    pltpu.sync_copy(is_hbm.at[pl.ds(base, 32)], idxs_v)
    pltpu.async_copy(ss_hbm.at[idxs_v], rowss_v, sem).wait()
    pltpu.sync_copy(rowss_v, os_hbm.at[pl.ds(base, 32)])


_sc_route_call = pl.kernel(
    _sc_route,
    mesh=plsc.VectorSubcoreMesh(core_axis_name="c", subcore_axis_name="s"),
    out_type=[
        jax.ShapeDtypeStruct((1024, 128), jnp.float32),
        jax.ShapeDtypeStruct((1024, 128), jnp.float32),
    ],
    scratch_types=[
        pltpu.VMEM((32,), jnp.int32),
        pltpu.VMEM((32, 128), jnp.float32),
        pltpu.VMEM((32,), jnp.int32),
        pltpu.VMEM((32, 128), jnp.float32),
        pltpu.SemaphoreType.DMA,
    ],
)


def _encode(z):
    v = jax.lax.bitcast_convert_type(z, jnp.int32)
    s = (v >> 16) & 0x8000
    a = (v & 0x7FFFFFFF) + 0x1000
    u = jnp.maximum(a - 0x38000000, 0)
    return s | (u >> 13)


def _body(yscl_ref, yscs_ref, bl_ref, bs_ref, out_ref):
    ysc_l = yscl_ref[...].astype(jnp.bfloat16)
    ysc_s = yscs_ref[...].astype(jnp.bfloat16)
    dn = (((1,), (0,)), ((), ()))
    zl = jax.lax.dot_general(ysc_l, bl_ref[...], dn,
                             preferred_element_type=jnp.float32) * 2.0
    zs = jax.lax.dot_general(ysc_s, bs_ref[...], dn,
                             preferred_element_type=jnp.float32) * 2.0

    ob = out_ref.bitcast(jnp.int32)
    ob[0:64, :] = _encode(zl[0:64]) | (_encode(zl[64:128]) << 16)
    ob[64:128, :] = _encode(zs[0:64]) | (_encode(zs[64:128]) << 16)


@jax.jit
def kernel(y_large, y_small, wids_large, wids_small, lora_B_large, lora_B_small):
    perm = jnp.concatenate([jnp.arange(0, 128, 2, dtype=jnp.int32),
                            jnp.arange(1, 128, 2, dtype=jnp.int32)])
    ylp = y_large.reshape(128, 64)[perm].astype(jnp.float32)
    ysp = y_small.reshape(128, 16)[perm].astype(jnp.float32)
    wlp = wids_large[perm]
    wsp = wids_small[perm]

    tok = jnp.repeat(jnp.arange(128, dtype=jnp.int32), 8)
    sub = jnp.tile(jnp.arange(8, dtype=jnp.int32), 128)
    wl8 = jnp.repeat(wlp, 8)
    il = jnp.where((wl8 >> 1) == sub, (wl8 & 1) * 128 + tok, 256)
    z64 = jnp.zeros((128, 64), jnp.float32)
    sl = jnp.concatenate([
        jnp.concatenate([ylp, z64], 1),
        jnp.concatenate([z64, ylp], 1),
        jnp.zeros((8, 128), jnp.float32),
    ])

    ws8 = jnp.repeat(wsp, 8)
    isv = jnp.where((ws8 >> 3) == sub, (ws8 & 7) * 128 + tok, 1024)
    z16 = jnp.zeros((128, 16), jnp.float32)
    banks = [jnp.concatenate([z16] * p + [ysp] + [z16] * (7 - p), 1)
             for p in range(8)]
    ss = jnp.concatenate(banks + [jnp.zeros((8, 128), jnp.float32)])

    yscl, yscs = _sc_route_call(sl, il, ss, isv)
    yscl = yscl.reshape(128, 1024)
    yscs = yscs.reshape(128, 1024)

    bl = lora_B_large.reshape(16 * 64, 4096).astype(jnp.bfloat16)
    bs = lora_B_small.reshape(64 * 16, 4096).astype(jnp.bfloat16)

    out = pl.pallas_call(
        _body,
        grid=(GRID,),
        in_specs=[
            pl.BlockSpec((128, 1024), lambda n: (0, 0)),
            pl.BlockSpec((128, 1024), lambda n: (0, 0)),
            pl.BlockSpec((1024, NT), lambda n: (0, n)),
            pl.BlockSpec((1024, NT), lambda n: (0, n)),
        ],
        out_specs=pl.BlockSpec((256, NT), lambda n: (0, n)),
        out_shape=jax.ShapeDtypeStruct((256, 4096), jnp.bfloat16),
    )(yscl, yscs, bl, bs)
    z = jax.lax.bitcast_convert_type(out, jnp.float16)
    return z.reshape(256, 1, 4096)

# --- scband reference (transcript-rebuilt; emitter-appended) ---
"""Pipeline reference for scband-sequential-lora-b-59459527246471 (READ-ONLY COPY).

The authoritative reference and input builder live on the scoring server;
editing this copy changes nothing except your own understanding.
"""

import jax, jax.numpy as jnp
import numpy as np


def setup_inputs(seed: int = 0) -> dict:
    key = jax.random.key(seed)
    k1, k2, k3, k4, k5, k6 = jax.random.split(key, 6)
    y_large = jax.random.normal(k1, (128, 1, 64), dtype=jnp.float32).astype(jnp.float16)
    y_small = jax.random.normal(k2, (128, 1, 16), dtype=jnp.float32).astype(jnp.float16)
    wids_large = jax.random.randint(k3, (128,), 0, 16, dtype=jnp.int32)
    wids_small = jax.random.randint(k4, (128,), 0, 64, dtype=jnp.int32)
    lora_B_large = (jax.random.normal(k5, (16, 64, 4096), dtype=jnp.float32) * 0.02).astype(jnp.float16)
    lora_B_small = (jax.random.normal(k6, (64, 16, 4096), dtype=jnp.float32) * 0.02).astype(jnp.float16)
    return {
        "y_large": y_large,
        "y_small": y_small,
        "wids_large": wids_large,
        "wids_small": wids_small,
        "lora_B_large": lora_B_large,
        "lora_B_small": lora_B_small,
    }


def reference(y_large, y_small, wids_large, wids_small, lora_B_large, lora_B_small):
    # Gather per-token LoRA B matrices by adapter id, then batched matmul.
    B_l = jnp.take(lora_B_large, wids_large, axis=0)  # [B_large, r_large, 4096]
    B_s = jnp.take(lora_B_small, wids_small, axis=0)  # [B_small, r_small, 4096]
    z_large = jnp.matmul(y_large, B_l) * 2.0          # [B_large, 1, 4096]
    z_small = jnp.matmul(y_small, B_s) * 2.0          # [B_small, 1, 4096]
    return jnp.concatenate([z_large, z_small], axis=0)  # [B_large+B_small, 1, 4096]

if __name__ == "__main__":
    import jax
    _d = setup_inputs()
    print(jax.jit(kernel)(*tuple(_d.values())))

</pallas_src>

<mosaic_0001>
#map = affine_map<(d0, d1) -> (0, 0)>
#map1 = affine_map<(d0, d1) -> (0)>
module attributes {stable_mosaic.version = 14 : i64} {
  func.func @_sc_route(%arg0: i32, %arg1: i32, %arg2: memref<264x128xf32, #tpu.memory_space<hbm>>, %arg3: memref<1024xi32, #tpu.memory_space<hbm>>, %arg4: memref<1032x128xf32, #tpu.memory_space<hbm>>, %arg5: memref<1024xi32, #tpu.memory_space<hbm>>, %arg6: memref<1024x128xf32, #tpu.memory_space<hbm>>, %arg7: memref<1024x128xf32, #tpu.memory_space<hbm>>, %arg8: memref<32xi32, #tpu.memory_space<vmem>>, %arg9: memref<32x128xf32, #tpu.memory_space<vmem>>, %arg10: memref<32xi32, #tpu.memory_space<vmem>>, %arg11: memref<32x128xf32, #tpu.memory_space<vmem>>, %arg12: memref<!tpu.dma_semaphore, #tpu.memory_space<semaphore_mem>>) attributes {dimension_semantics = [#tpu.dimension_semantics<core_parallel>, #tpu.dimension_semantics<subcore_parallel>], iteration_bounds = array<i64: 2, 16>, scalar_prefetch = 0 : i64, scratch_operands = 5 : i64, tpu.core_type = #tpu.core_type<sc_vector_subcore>, window_params = [{transform_indices = #map}, {transform_indices = #map1}, {transform_indices = #map}, {transform_indices = #map1}, {transform_indices = #map}, {transform_indices = #map}]} {
    %mul3A = arith.constant 2 : i32
    %mul3A_0 = arith.muli %arg1, %mul3A : i32
    %add3A = arith.addi %mul3A_0, %arg0 : i32
    %mul3A_1 = arith.constant 32 : i32
    %mul3A_2 = arith.muli %add3A, %mul3A_1 : i32
    "tpu.region"() ({
      %run_scoped3A = tpu.sem_alloc : memref<!tpu.dma_semaphore, #tpu.memory_space<semaphore_mem>>
      %dma_start3A_13 = tpu.memref_slice %arg3[%mul3A_2] : memref<1024xi32, #tpu.memory_space<hbm>> -> memref<32xi32, #tpu.memory_space<hbm>>
      %dma_start3A_14 = tpu.memref_slice %arg3[%mul3A_2] : memref<1024xi32, #tpu.memory_space<hbm>> -> memref<32xi32, #tpu.memory_space<hbm>>
      tpu.enqueue_dma source(%dma_start3A_14 : memref<32xi32, #tpu.memory_space<hbm>>) target(%arg8 : memref<32xi32, #tpu.memory_space<vmem>>) target_semaphore(%run_scoped3A : memref<!tpu.dma_semaphore, #tpu.memory_space<semaphore_mem>>)
      %dma_wait3A_15 = tpu.memref_slice %arg3[%mul3A_2] : memref<1024xi32, #tpu.memory_space<hbm>> -> memref<32xi32, #tpu.memory_space<hbm>>
      %dma_wait3A_16 = tpu.memref_slice %arg3[%mul3A_2] : memref<1024xi32, #tpu.memory_space<hbm>> -> memref<32xi32, #tpu.memory_space<hbm>>
      tpu.wait_dma2 semaphore(%run_scoped3A : memref<!tpu.dma_semaphore, #tpu.memory_space<semaphore_mem>>) src(%dma_wait3A_16 : memref<32xi32, #tpu.memory_space<hbm>>) dst(%arg8 : memref<32xi32, #tpu.memory_space<vmem>>)
      tpu.yield
    }) : () -> ()
    %dma_start3A = arith.constant 0 : i32
    %dma_start3A_3 = arith.constant 0 : i32
    %dma_start3A_4 = tpu.memref_slice %arg2[%dma_start3A, %dma_start3A_3] : memref<264x128xf32, #tpu.memory_space<hbm>> -> memref<264x128xf32, #tpu.memory_space<hbm>>
    tpu.enqueue_indirect_dma source(%dma_start3A_4 : memref<264x128xf32, #tpu.memory_space<hbm>>) target(%arg9 : memref<32x128xf32, #tpu.memory_space<vmem>>) offsets(%arg8 : memref<32xi32, #tpu.memory_space<vmem>>) semaphore(%arg12 : memref<!tpu.dma_semaphore, #tpu.memory_space<semaphore_mem>>)
    %dma_wait3A = arith.constant 0 : i32
    %dma_wait3A_5 = arith.constant 0 : i32
    %dma_wait3A_6 = tpu.memref_slice %arg2[%dma_wait3A, %dma_wait3A_5] : memref<264x128xf32, #tpu.memory_space<hbm>> -> memref<264x128xf32, #tpu.memory_space<hbm>>
    tpu.wait_indirect_dma semaphore(%arg12 : memref<!tpu.dma_semaphore, #tpu.memory_space<semaphore_mem>>) src(%dma_wait3A_6 : memref<264x128xf32, #tpu.memory_space<hbm>>) dst(%arg9 : memref<32x128xf32, #tpu.memory_space<vmem>>)
    "tpu.region"() ({
      %run_scoped3A = tpu.sem_alloc : memref<!tpu.dma_semaphore, #tpu.memory_space<semaphore_mem>>
      %dma_start3A_13 = arith.constant 0 : i32
      %dma_start3A_14 = tpu.memref_slice %arg6[%mul3A_2, %dma_start3A_13] : memref<1024x128xf32, #tpu.memory_space<hbm>> -> memref<32x128xf32, #tpu.memory_space<hbm>>
      %dma_start3A_15 = arith.constant 0 : i32
      %dma_start3A_16 = tpu.memref_slice %arg6[%mul3A_2, %dma_start3A_15] : memref<1024x128xf32, #tpu.memory_space<hbm>> -> memref<32x128xf32, #tpu.memory_space<hbm>>
      tpu.enqueue_dma source(%arg9 : memref<32x128xf32, #tpu.memory_space<vmem>>) target(%dma_start3A_16 : memref<32x128xf32, #tpu.memory_space<hbm>>) target_semaphore(%run_scoped3A : memref<!tpu.dma_semaphore, #tpu.memory_space<semaphore_mem>>)
      %dma_wait3A_17 = arith.constant 0 : i32
      %dma_wait3A_18 = tpu.memref_slice %arg6[%mul3A_2, %dma_wait3A_17] : memref<1024x128xf32, #tpu.memory_space<hbm>> -> memref<32x128xf32, #tpu.memory_space<hbm>>
      %dma_wait3A_19 = arith.constant 0 : i32
      %dma_wait3A_20 = tpu.memref_slice %arg6[%mul3A_2, %dma_wait3A_19] : memref<1024x128xf32, #tpu.memory_space<hbm>> -> memref<32x128xf32, #tpu.memory_space<hbm>>
      tpu.wait_dma2 semaphore(%run_scoped3A : memref<!tpu.dma_semaphore, #tpu.memory_space<semaphore_mem>>) src(%arg9 : memref<32x128xf32, #tpu.memory_space<vmem>>) dst(%dma_wait3A_20 : memref<32x128xf32, #tpu.memory_space<hbm>>)
      tpu.yield
    }) : () -> ()
    "tpu.region"() ({
      %run_scoped3A = tpu.sem_alloc : memref<!tpu.dma_semaphore, #tpu.memory_space<semaphore_mem>>
      %dma_start3A_13 = tpu.memref_slice %arg5[%mul3A_2] : memref<1024xi32, #tpu.memory_space<hbm>> -> memref<32xi32, #tpu.memory_space<hbm>>
      %dma_start3A_14 = tpu.memref_slice %arg5[%mul3A_2] : memref<1024xi32, #tpu.memory_space<hbm>> -> memref<32xi32, #tpu.memory_space<hbm>>
      tpu.enqueue_dma source(%dma_start3A_14 : memref<32xi32, #tpu.memory_space<hbm>>) target(%arg10 : memref<32xi32, #tpu.memory_space<vmem>>) target_semaphore(%run_scoped3A : memref<!tpu.dma_semaphore, #tpu.memory_space<semaphore_mem>>)
      %dma_wait3A_15 = tpu.memref_slice %arg5[%mul3A_2] : memref<1024xi32, #tpu.memory_space<hbm>> -> memref<32xi32, #tpu.memory_space<hbm>>
      %dma_wait3A_16 = tpu.memref_slice %arg5[%mul3A_2] : memref<1024xi32, #tpu.memory_space<hbm>> -> memref<32xi32, #tpu.memory_space<hbm>>
      tpu.wait_dma2 semaphore(%run_scoped3A : memref<!tpu.dma_semaphore, #tpu.memory_space<semaphore_mem>>) src(%dma_wait3A_16 : memref<32xi32, #tpu.memory_space<hbm>>) dst(%arg10 : memref<32xi32, #tpu.memory_space<vmem>>)
      tpu.yield
    }) : () -> ()
    %dma_start3A_7 = arith.constant 0 : i32
    %dma_start3A_8 = arith.constant 0 : i32
    %dma_start3A_9 = tpu.memref_slice %arg4[%dma_start3A_7, %dma_start3A_8] : memref<1032x128xf32, #tpu.memory_space<hbm>> -> memref<1032x128xf32, #tpu.memory_space<hbm>>
    tpu.enqueue_indirect_dma source(%dma_start3A_9 : memref<1032x128xf32, #tpu.memory_space<hbm>>) target(%arg11 : memref<32x128xf32, #tpu.memory_space<vmem>>) offsets(%arg10 : memref<32xi32, #tpu.memory_space<vmem>>) semaphore(%arg12 : memref<!tpu.dma_semaphore, #tpu.memory_space<semaphore_mem>>)
    %dma_wait3A_10 = arith.constant 0 : i32
    %dma_wait3A_11 = arith.constant 0 : i32
    %dma_wait3A_12 = tpu.memref_slice %arg4[%dma_wait3A_10, %dma_wait3A_11] : memref<1032x128xf32, #tpu.memory_space<hbm>> -> memref<1032x128xf32, #tpu.memory_space<hbm>>
    tpu.wait_indirect_dma semaphore(%arg12 : memref<!tpu.dma_semaphore, #tpu.memory_space<semaphore_mem>>) src(%dma_wait3A_12 : memref<1032x128xf32, #tpu.memory_space<hbm>>) dst(%arg11 : memref<32x128xf32, #tpu.memory_space<vmem>>)
    "tpu.region"() ({
      %run_scoped3A = tpu.sem_alloc : memref<!tpu.dma_semaphore, #tpu.memory_space<semaphore_mem>>
      %dma_start3A_13 = arith.constant 0 : i32
      %dma_start3A_14 = tpu.memref_slice %arg7[%mul3A_2, %dma_start3A_13] : memref<1024x128xf32, #tpu.memory_space<hbm>> -> memref<32x128xf32, #tpu.memory_space<hbm>>
      %dma_start3A_15 = arith.constant 0 : i32
      %dma_start3A_16 = tpu.memref_slice %arg7[%mul3A_2, %dma_start3A_15] : memref<1024x128xf32, #tpu.memory_space<hbm>> -> memref<32x128xf32, #tpu.memory_space<hbm>>
      tpu.enqueue_dma source(%arg11 : memref<32x128xf32, #tpu.memory_space<vmem>>) target(%dma_start3A_16 : memref<32x128xf32, #tpu.memory_space<hbm>>) target_semaphore(%run_scoped3A : memref<!tpu.dma_semaphore, #tpu.memory_space<semaphore_mem>>)
      %dma_wait3A_17 = arith.constant 0 : i32
      %dma_wait3A_18 = tpu.memref_slice %arg7[%mul3A_2, %dma_wait3A_17] : memref<1024x128xf32, #tpu.memory_space<hbm>> -> memref<32x128xf32, #tpu.memory_space<hbm>>
      %dma_wait3A_19 = arith.constant 0 : i32
      %dma_wait3A_20 = tpu.memref_slice %arg7[%mul3A_2, %dma_wait3A_19] : memref<1024x128xf32, #tpu.memory_space<hbm>> -> memref<32x128xf32, #tpu.memory_space<hbm>>
      tpu.wait_dma2 semaphore(%run_scoped3A : memref<!tpu.dma_semaphore, #tpu.memory_space<semaphore_mem>>) src(%arg11 : memref<32x128xf32, #tpu.memory_space<vmem>>) dst(%dma_wait3A_20 : memref<32x128xf32, #tpu.memory_space<hbm>>)
      tpu.yield
    }) : () -> ()
    return
  }
}

module attributes {stable_mosaic.version = 14 : i64} {
  func.func @_body(%arg0: i32, %arg1: memref<128x1024xf32, #tpu.memory_space<vmem>>, %arg2: memref<128x1024xf32, #tpu.memory_space<vmem>>, %arg3: memref<1024x1024xbf16, #tpu.memory_space<vmem>>, %arg4: memref<1024x1024xbf16, #tpu.memory_space<vmem>>, %arg5: memref<256x1024xbf16, #tpu.memory_space<vmem>>) attributes {dimension_semantics = [#tpu.dimension_semantics<arbitrary>], iteration_bounds = array<i64: 4>, scalar_prefetch = 0 : i64, scratch_operands = 0 : i64, tpu.core_type = #tpu.core_type<tc>, window_params = [{pipeline_mode = #tpu.pipeline_mode<synchronous>, transform_indices = @transform_0, window_bounds = array<i64: 128, 1024>}, {pipeline_mode = #tpu.pipeline_mode<synchronous>, transform_indices = @transform_1, window_bounds = array<i64: 128, 1024>}, {transform_indices = @transform_2, window_bounds = array<i64: 1024, 1024>}, {transform_indices = @transform_3, window_bounds = array<i64: 1024, 1024>}, {transform_indices = @transform_4, window_bounds = array<i64: 256, 1024>}]} {
    %get3A = arith.constant 0 : index
    %get3A_0 = arith.constant 0 : index
    %get3A_1 = vector.load %arg1[%get3A, %get3A_0] : memref<128x1024xf32, #tpu.memory_space<vmem>>, vector<128x1024xf32>
    %convert_element_type3A = arith.truncf %get3A_1 : vector<128x1024xf32> to vector<128x1024xbf16>
    %get3A_2 = arith.constant 0 : index
    %get3A_3 = arith.constant 0 : index
    %get3A_4 = vector.load %arg2[%get3A_2, %get3A_3] : memref<128x1024xf32, #tpu.memory_space<vmem>>, vector<128x1024xf32>
    %convert_element_type3A_5 = arith.truncf %get3A_4 : vector<128x1024xf32> to vector<128x1024xbf16>
    %get3A_6 = arith.constant 0 : index
    %get3A_7 = arith.constant 0 : index
    %get3A_8 = vector.load %arg3[%get3A_6, %get3A_7] : memref<1024x1024xbf16, #tpu.memory_space<vmem>>, vector<1024x1024xbf16>
    %dot_general3A = arith.constant dense<0.000000e+00> : vector<128x1024xf32>
    %dot_general3A_9 = tpu.matmul %convert_element_type3A, %get3A_8, %dot_general3A {dimension_numbers = #tpu.dot_dimension_numbers<[1], [0], [0], [1], [0, 0, 1, 1], [], []>, transpose_lhs_hint = false} : vector<128x1024xbf16>, vector<1024x1024xbf16>, vector<128x1024xf32> -> vector<128x1024xf32>
    %mul3A = arith.constant 2.000000e+00 : f32
    %mul3A_10 = vector.broadcast %mul3A : f32 to vector<128x1024xf32>
    %mul3A_11 = arith.mulf %dot_general3A_9, %mul3A_10 : vector<128x1024xf32>
    %get3A_12 = arith.constant 0 : index
    %get3A_13 = arith.constant 0 : index
    %get3A_14 = vector.load %arg4[%get3A_12, %get3A_13] : memref<1024x1024xbf16, #tpu.memory_space<vmem>>, vector<1024x1024xbf16>
    %dot_general3A_15 = arith.constant dense<0.000000e+00> : vector<128x1024xf32>
    %dot_general3A_16 = tpu.matmul %convert_element_type3A_5, %get3A_14, %dot_general3A_15 {dimension_numbers = #tpu.dot_dimension_numbers<[1], [0], [0], [1], [0, 0, 1, 1], [], []>, transpose_lhs_hint = false} : vector<128x1024xbf16>, vector<1024x1024xbf16>, vector<128x1024xf32> -> vector<128x1024xf32>
    %mul3A_17 = arith.constant 2.000000e+00 : f32
    %mul3A_18 = vector.broadcast %mul3A_17 : f32 to vector<128x1024xf32>
    %mul3A_19 = arith.mulf %dot_general3A_16, %mul3A_18 : vector<128x1024xf32>
    %slice3A = vector.extract_strided_slice %mul3A_11 {offsets = [0, 0], sizes = [64, 1024], strides = [1, 1]} : vector<128x1024xf32> to vector<64x1024xf32>
    %bitcast_convert_type3A = tpu.bitcast %slice3A : vector<64x1024xf32> -> vector<64x1024xi32>
    %shift_right_arithmetic3A = arith.constant 16 : i32
    %shift_right_arithmetic3A_20 = vector.broadcast %shift_right_arithmetic3A : i32 to vector<64x1024xi32>
    %shift_right_arithmetic3A_21 = arith.shrsi %bitcast_convert_type3A, %shift_right_arithmetic3A_20 : vector<64x1024xi32>
    %and3A = arith.constant 32768 : i32
    %and3A_22 = vector.broadcast %and3A : i32 to vector<64x1024xi32>
    %and3A_23 = arith.andi %shift_right_arithmetic3A_21, %and3A_22 : vector<64x1024xi32>
    %and3A_24 = arith.constant 2147483647 : i32
    %and3A_25 = vector.broadcast %and3A_24 : i32 to vector<64x1024xi32>
    %and3A_26 = arith.andi %bitcast_convert_type3A, %and3A_25 : vector<64x1024xi32>
    %add3A = arith.constant 4096 : i32
    %add3A_27 = vector.broadcast %add3A : i32 to vector<64x1024xi32>
    %add3A_28 = arith.addi %and3A_26, %add3A_27 : vector<64x1024xi32>
    %sub3A = arith.constant 939524096 : i32
    %sub3A_29 = vector.broadcast %sub3A : i32 to vector<64x1024xi32>
    %sub3A_30 = arith.subi %add3A_28, %sub3A_29 : vector<64x1024xi32>
    %max3A = arith.constant 0 : i32
    %max3A_31 = vector.broadcast %max3A : i32 to vector<64x1024xi32>
    %max3A_32 = arith.maxsi %sub3A_30, %max3A_31 : vector<64x1024xi32>
    %shift_right_arithmetic3A_33 = arith.constant 13 : i32
    %shift_right_arithmetic3A_34 = vector.broadcast %shift_right_arithmetic3A_33 : i32 to vector<64x1024xi32>
    %shift_right_arithmetic3A_35 = arith.shrsi %max3A_32, %shift_right_arithmetic3A_34 : vector<64x1024xi32>
    %or3A = arith.ori %and3A_23, %shift_right_arithmetic3A_35 : vector<64x1024xi32>
    %slice3A_36 = vector.extract_strided_slice %mul3A_11 {offsets = [64, 0], sizes = [64, 1024], strides = [1, 1]} : vector<128x1024xf32> to vector<64x1024xf32>
    %bitcast_convert_type3A_37 = tpu.bitcast %slice3A_36 : vector<64x1024xf32> -> vector<64x1024xi32>
    %shift_right_arithmetic3A_38 = arith.constant 16 : i32
    %shift_right_arithmetic3A_39 = vector.broadcast %shift_right_arithmetic3A_38 : i32 to vector<64x1024xi32>
    %shift_right_arithmetic3A_40 = arith.shrsi %bitcast_convert_type3A_37, %shift_right_arithmetic3A_39 : vector<64x1024xi32>
    %and3A_41 = arith.constant 32768 : i32
    %and3A_42 = vector.broadcast %and3A_41 : i32 to vector<64x1024xi32>
    %and3A_43 = arith.andi %shift_right_arithmetic3A_40, %and3A_42 : vector<64x1024xi32>
    %and3A_44 = arith.constant 2147483647 : i32
    %and3A_45 = vector.broadcast %and3A_44 : i32 to vector<64x1024xi32>
    %and3A_46 = arith.andi %bitcast_convert_type3A_37, %and3A_45 : vector<64x1024xi32>
    %add3A_47 = arith.constant 4096 : i32
    %add3A_48 = vector.broadcast %add3A_47 : i32 to vector<64x1024xi32>
    %add3A_49 = arith.addi %and3A_46, %add3A_48 : vector<64x1024xi32>
    %sub3A_50 = arith.constant 939524096 : i32
    %sub3A_51 = vector.broadcast %sub3A_50 : i32 to vector<64x1024xi32>
    %sub3A_52 = arith.subi %add3A_49, %sub3A_51 : vector<64x1024xi32>
    %max3A_53 = arith.constant 0 : i32
    %max3A_54 = vector.broadcast %max3A_53 : i32 to vector<64x1024xi32>
    %max3A_55 = arith.maxsi %sub3A_52, %max3A_54 : vector<64x1024xi32>
    %shift_right_arithmetic3A_56 = arith.constant 13 : i32
    %shift_right_arithmetic3A_57 = vector.broadcast %shift_right_arithmetic3A_56 : i32 to vector<64x1024xi32>
    %shift_right_arithmetic3A_58 = arith.shrsi %max3A_55, %shift_right_arithmetic3A_57 : vector<64x1024xi32>
    %or3A_59 = arith.ori %and3A_43, %shift_right_arithmetic3A_58 : vector<64x1024xi32>
    %shift_left3A = arith.constant 16 : i32
    %shift_left3A_60 = vector.broadcast %shift_left3A : i32 to vector<64x1024xi32>
    %shift_left3A_61 = arith.shli %or3A_59, %shift_left3A_60 : vector<64x1024xi32>
    %or3A_62 = arith.ori %or3A, %shift_left3A_61 : vector<64x1024xi32>
    %swap3A = tpu.memref_bitcast %arg5 : memref<256x1024xbf16, #tpu.memory_space<vmem>> -> memref<128x1024xi32, #tpu.memory_space<vmem>>
    %swap3A_63 = arith.constant 0 : index
    %swap3A_64 = arith.constant 0 : index
    %swap3A_65 = vector.load %swap3A[%swap3A_63, %swap3A_64] : memref<128x1024xi32, #tpu.memory_space<vmem>>, vector<64x1024xi32>
    tpu.vector_store %swap3A[%swap3A_63, %swap3A_64], %or3A_62 {strides = array<i32>} : memref<128x1024xi32, #tpu.memory_space<vmem>>, vector<64x1024xi32>,
    %slice3A_66 = vector.extract_strided_slice %mul3A_19 {offsets = [0, 0], sizes = [64, 1024], strides = [1, 1]} : vector<128x1024xf32> to vector<64x1024xf32>
    %bitcast_convert_type3A_67 = tpu.bitcast %slice3A_66 : vector<64x1024xf32> -> vector<64x1024xi32>
    %shift_right_arithmetic3A_68 = arith.constant 16 : i32
    %shift_right_arithmetic3A_69 = vector.broadcast %shift_right_arithmetic3A_68 : i32 to vector<64x1024xi32>
    %shift_right_arithmetic3A_70 = arith.shrsi %bitcast_convert_type3A_67, %shift_right_arithmetic3A_69 : vector<64x1024xi32>
    %and3A_71 = arith.constant 32768 : i32
    %and3A_72 = vector.broadcast %and3A_71 : i32 to vector<64x1024xi32>
    %and3A_73 = arith.andi %shift_right_arithmetic3A_70, %and3A_72 : vector<64x1024xi32>
    %and3A_74 = arith.constant 2147483647 : i32
    %and3A_75 = vector.broadcast %and3A_74 : i32 to vector<64x1024xi32>
    %and3A_76 = arith.andi %bitcast_convert_type3A_67, %and3A_75 : vector<64x1024xi32>
    %add3A_77 = arith.constant 4096 : i32
    %add3A_78 = vector.broadcast %add3A_77 : i32 to vector<64x1024xi32>
    %add3A_79 = arith.addi %and3A_76, %add3A_78 : vector<64x1024xi32>
    %sub3A_80 = arith.constant 939524096 : i32
    %sub3A_81 = vector.broadcast %sub3A_80 : i32 to vector<64x1024xi32>
    %sub3A_82 = arith.subi %add3A_79, %sub3A_81 : vector<64x1024xi32>
    %max3A_83 = arith.constant 0 : i32
    %max3A_84 = vector.broadcast %max3A_83 : i32 to vector<64x1024xi32>
    %max3A_85 = arith.maxsi %sub3A_82, %max3A_84 : vector<64x1024xi32>
    %shift_right_arithmetic3A_86 = arith.constant 13 : i32
    %shift_right_arithmetic3A_87 = vector.broadcast %shift_right_arithmetic3A_86 : i32 to vector<64x1024xi32>
    %shift_right_arithmetic3A_88 = arith.shrsi %max3A_85, %shift_right_arithmetic3A_87 : vector<64x1024xi32>
    %or3A_89 = arith.ori %and3A_73, %shift_right_arithmetic3A_88 : vector<64x1024xi32>
    %slice3A_90 = vector.extract_strided_slice %mul3A_19 {offsets = [64, 0], sizes = [64, 1024], strides = [1, 1]} : vector<128x1024xf32> to vector<64x1024xf32>
    %bitcast_convert_type3A_91 = tpu.bitcast %slice3A_90 : vector<64x1024xf32> -> vector<64x1024xi32>
    %shift_right_arithmetic3A_92 = arith.constant 16 : i32
    %shift_right_arithmetic3A_93 = vector.broadcast %shift_right_arithmetic3A_92 : i32 to vector<64x1024xi32>
    %shift_right_arithmetic3A_94 = arith.shrsi %bitcast_convert_type3A_91, %shift_right_arithmetic3A_93 : vector<64x1024xi32>
    %and3A_95 = arith.constant 32768 : i32
    %and3A_96 = vector.broadcast %and3A_95 : i32 to vector<64x1024xi32>
    %and3A_97 = arith.andi %shift_right_arithmetic3A_94, %and3A_96 : vector<64x1024xi32>
    %and3A_98 = arith.constant 2147483647 : i32
    %and3A_99 = vector.broadcast %and3A_98 : i32 to vector<64x1024xi32>
    %and3A_100 = arith.andi %bitcast_convert_type3A_91, %and3A_99 : vector<64x1024xi32>
    %add3A_101 = arith.constant 4096 : i32
    %add3A_102 = vector.broadcast %add3A_101 : i32 to vector<64x1024xi32>
    %add3A_103 = arith.addi %and3A_100, %add3A_102 : vector<64x1024xi32>
    %sub3A_104 = arith.constant 939524096 : i32
    %sub3A_105 = vector.broadcast %sub3A_104 : i32 to vector<64x1024xi32>
    %sub3A_106 = arith.subi %add3A_103, %sub3A_105 : vector<64x1024xi32>
    %max3A_107 = arith.constant 0 : i32
    %max3A_108 = vector.broadcast %max3A_107 : i32 to vector<64x1024xi32>
    %max3A_109 = arith.maxsi %sub3A_106, %max3A_108 : vector<64x1024xi32>
    %shift_right_arithmetic3A_110 = arith.constant 13 : i32
    %shift_right_arithmetic3A_111 = vector.broadcast %shift_right_arithmetic3A_110 : i32 to vector<64x1024xi32>
    %shift_right_arithmetic3A_112 = arith.shrsi %max3A_109, %shift_right_arithmetic3A_111 : vector<64x1024xi32>
    %or3A_113 = arith.ori %and3A_97, %shift_right_arithmetic3A_112 : vector<64x1024xi32>
    %shift_left3A_114 = arith.constant 16 : i32
    %shift_left3A_115 = vector.broadcast %shift_left3A_114 : i32 to vector<64x1024xi32>
    %shift_left3A_116 = arith.shli %or3A_113, %shift_left3A_115 : vector<64x1024xi32>
    %or3A_117 = arith.ori %or3A_89, %shift_left3A_116 : vector<64x1024xi32>
    %swap3A_118 = tpu.memref_bitcast %arg5 : memref<256x1024xbf16, #tpu.memory_space<vmem>> -> memref<128x1024xi32, #tpu.memory_space<vmem>>
    %swap3A_119 = arith.constant 64 : index
    %swap3A_120 = arith.constant 0 : index
    %swap3A_121 = vector.load %swap3A_118[%swap3A_119, %swap3A_120] : memref<128x1024xi32, #tpu.memory_space<vmem>>, vector<64x1024xi32>
    tpu.vector_store %swap3A_118[%swap3A_119, %swap3A_120], %or3A_117 {strides = array<i32>} : memref<128x1024xi32, #tpu.memory_space<vmem>>, vector<64x1024xi32>,
    return
  }
  func.func @transform_0(%arg0: i32) -> (i32, i32) {
    %c0_i32 = arith.constant 0 : i32
    %c0_i32_0 = arith.constant 0 : i32
    %c0_i32_1 = arith.constant 0 : i32
    return %c0_i32, %c0_i32_0 : i32, i32
  }
  func.func @transform_1(%arg0: i32) -> (i32, i32) {
    %c0_i32 = arith.constant 0 : i32
    %c0_i32_0 = arith.constant 0 : i32
    %c0_i32_1 = arith.constant 0 : i32
    return %c0_i32, %c0_i32_0 : i32, i32
  }
  func.func @transform_2(%arg0: i32) -> (i32, i32) {
    %c0_i32 = arith.constant 0 : i32
    %c0_i32_0 = arith.constant 0 : i32
    return %c0_i32, %arg0 : i32, i32
  }
  func.func @transform_3(%arg0: i32) -> (i32, i32) {
    %c0_i32 = arith.constant 0 : i32
    %c0_i32_0 = arith.constant 0 : i32
    return %c0_i32, %arg0 : i32, i32
  }
  func.func @transform_4(%arg0: i32) -> (i32, i32) {
    %c0_i32 = arith.constant 0 : i32
    %c0_i32_0 = arith.constant 0 : i32
    return %c0_i32, %arg0 : i32, i32
  }
}

</mosaic_0001>

<sc_bundles>
// kernel: kernel.4.cloned.1.call-start
scs
__scs_entry_jumppad:
0x0: {  	(pc) =	sbr.rel $0x88, $3  }
0x1: {  	(tag) =	ssettag $0x0;
	lr =	simm.s32 $0x1  }
0x2: {  	[smem:$0x3F9B] =	sst lr;
	_ =	strace $0xD0000000  }
0x3: {  	_ = 	snop  }
0x4: {  	_ = 	snop  }
0x5: {  	_ = 	snop  }
0x6: {  	_ = 	snop  }
0x7: {  	_ = 	snop  }
__scs_overlays_trampoline_lowered:
0x8: {  	[smem:$0x3FAA] =	sst s0  }
0x9: {  	[smem:$0x3FAB] =	sst s1  }
0xa: {  	[smem:$0x3FAC] =	sst s2  }
0xb: {  	[smem:$0x3FAD] =	sst s3  }
0xc: {  	[smem:$0x3FAE] =	sst s4  }
0xd: {  	[smem:$0x3FAF] =	sst s5  }
0xe: {  	[smem:$0x3FB0] =	sst s6  }
0xf: {  	[smem:$0x3FB1] =	sst s7  }
0x10: {  	[smem:$0x3FB2] =	sst s8  }
0x11: {  	[smem:$0x3FB3] =	sst s9;
	s0 =	simm.s32 @!p0 $0x0  }
0x12: {  	s1 =	sld [smem:$0x3F99];
	s0 =	simm.s32 @p0 $0x1  }
0x13: {  	[smem:$0x3FB4] =	sst s0;
	s0 =	simm.s32 @!p1 $0x0  }
0x14: {  	s2 =	sld [smem:$0x3F98];
	s0 =	simm.s32 @p1 $0x1  }
0x15: {  	[smem:$0x3FB5] =	sst s0;
	s0 =	simm.s32 @!p2 $0x0  }
0x16: {  	s3 =	sld [smem:$0x3FDB];
	s0 =	simm.s32 @p2 $0x1  }
0x17: {  	s4 =	simm.s32 $0x1BF5;
	[smem:$0x3FB7] =	sst s0  }
0x18: {  	s0 =	sld [smem:$0x3F9A];
	_ =	swait.ge [sflag:s4], $0x0  }
0x19: {  	s7 =	sld [smem:$0x3F9B]  }
0x1a: {  	s8 =	sadd.s32 $0xFFFFE003, lr  }
0x1b: {  	s9 =	sadd.s32 $0xFFFFFEF7, lr;
	s5 =	simm.s32 $0xFFFFFFFF;
	p2 =	slt.u32 s8, $0xFFFFF086  }
0x1c: {  	p1 =	slt.u32 s9, $0xF7A;
	s5 =	simm.s32 @!p2 $0x0  }
0x1d: {  	s5 =	simm.s32 @p1 $0x1;
	p0 =	seq.s32 s7, s2  }
0x1e: {  	s7 =	smul.u32 @!p0 $0xF7A, s2;
	p2 =	seq.s32 @!p0 s5, $0x0  }
0x1f: {  	s9 =	smul.u32 $0xF7A, s1;
	s8 =	simm.s32 @!p0 $0x1BF5;
	p2 =	por !p2, p0  }
0x20: {  	[sflag:s8] =	ssyncset.s32 @!p0 $0xFFFFF086;
	s6 =	sadd.s32 @!p0 s3, s7;
	s7 =	simm.s32 @!p0 $0x108  }
0x21: {  	s3 =	sadd.s32 s3, s9;
	s6 =	sadd.s32 @!p0 $0x88, s6;
	s7 =	simm.s32 @p2 $0x1082  }
0x22: {  	[simem:s7], [sflag:s8] =	dma.local @!p0 [hbm:s6], $0xF7A  }
0x23: {  	s9 =	sor.u32 $0xD0000000, s2;
	s6 =	simm.s32 $0x108;
	_ =	swait.ge @!p0 [sflag:s8], $0x0  }
0x24: {  	s3 =	sadd.s32 $0x88, s3;
	s6 =	simm.s32 @!p1 $0x1082;
	[sflag:s4] =	ssyncset.s32 $0xFFFFF086  }
0x25: {  	[simem:s6], [sflag:s4] =	dma.local [hbm:s3], $0xF7A  }
0x26: {  	[smem:$0x3F9B] =	sst s1;
	(tag) =	ssettag s2;
	_ =	strace s9  }
0x27: {  	s1 =	sld [smem:$0x3FAB]  }
0x28: {  	s2 =	sld [smem:$0x3FAC]  }
0x29: {  	s4 =	sld [smem:$0x3FAE]  }
0x2a: {  	p0 =	seq.s32 s5, $0x0;
	s5 =	sld [smem:$0x3FAF]  }
0x2b: {  	s6 =	sld [smem:$0x3FB0]  }
0x2c: {  	s7 =	sld [smem:$0x3FB1]  }
0x2d: {  	s3 =	simm.s32 $0x108;
	s8 =	sld [smem:$0x3FB2]  }
0x2e: {  	s3 =	simm.s32 @!p0 $0x1082;
	s9 =	sld [smem:$0x3FB3]  }
0x2f: {  	lr =	sadd.s32 s0, s3;
	s0 =	sld [smem:$0x3FAA]  }
0x30: {  	s3 =	sld [smem:$0x3FAD]  }
0x31: {  	[smem:$0x3FB6] =	sst s10  }
0x32: {  	s10 =	sld [smem:$0x3FB4];
	_ =	sdelay $0x3  }
0x33: {  	p0 =	seq.s32 s10, $0x1;
	s10 =	sld [smem:$0x3FB6];
	_ =	sdelay $0x3  }
0x34: {  	[smem:$0x3FB6] =	sst s10  }
0x35: {  	s10 =	sld [smem:$0x3FB5];
	_ =	sdelay $0x3  }
0x36: {  	p1 =	seq.s32 s10, $0x1;
	s10 =	sld [smem:$0x3FB6];
	_ =	sdelay $0x3  }
0x37: {  	[smem:$0x3FB6] =	sst s10  }
0x38: {  	s10 =	sld [smem:$0x3FB7]  }
0x39: {  	_ = 	snop;
	(pc) =	sbr.ind lr, $3  }
0x3a: {  	_ = 	snop  }
0x3b: {  	_ = 	snop  }
0x3c: {  	p2 =	seq.s32 s10, $0x1;
	s10 =	sld [smem:$0x3FB6]  }
0x3d: {  	_ =	shalt  }
0x3e: {  	_ =	shalt  }
0x3f: {  	_ =	shalt  }
0x40: {  	_ =	shalt  }
0x41: {  	_ =	shalt  }
0x42: {  	_ =	shalt  }
0x43: {  	_ =	shalt  }
0x44: {  	_ =	shalt  }
0x45: {  	_ =	shalt  }
0x46: {  	_ =	shalt  }
0x47: {  	_ =	shalt  }
0x48: {  	_ =	shalt  }
0x49: {  	_ =	shalt  }
0x4a: {  	_ =	shalt  }
0x4b: {  	_ =	shalt  }
0x4c: {  	_ =	shalt  }
0x4d: {  	_ =	shalt  }
0x4e: {  	_ =	shalt  }
0x4f: {  	_ =	shalt  }
0x50: {  	_ =	shalt  }
0x51: {  	_ =	shalt  }
0x52: {  	_ =	shalt  }
0x53: {  	_ =	shalt  }
0x54: {  	_ =	shalt  }
0x55: {  	_ =	shalt  }
0x56: {  	_ =	shalt  }
0x57: {  	_ =	shalt  }
0x58: {  	_ =	shalt  }
0x59: {  	_ =	shalt  }
0x5a: {  	_ =	shalt  }
0x5b: {  	_ =	shalt  }
0x5c: {  	_ =	shalt  }
0x5d: {  	_ =	shalt  }
0x5e: {  	_ =	shalt  }
0x5f: {  	_ =	shalt  }
0x60: {  	_ =	shalt  }
0x61: {  	_ =	shalt  }
0x62: {  	_ =	shalt  }
0x63: {  	_ =	shalt  }
0x64: {  	_ =	shalt  }
0x65: {  	_ =	shalt  }
0x66: {  	_ =	shalt  }
0x67: {  	_ =	shalt  }
0x68: {  	_ =	shalt  }
0x69: {  	_ =	shalt  }
0x6a: {  	_ =	shalt  }
0x6b: {  	_ =	shalt  }
0x6c: {  	_ =	shalt  }
0x6d: {  	_ =	shalt  }
0x6e: {  	_ =	shalt  }
0x6f: {  	_ =	shalt  }
0x70: {  	_ =	shalt  }
0x71: {  	_ =	shalt  }
0x72: {  	_ =	shalt  }
0x73: {  	_ =	shalt  }
0x74: {  	_ =	shalt  }
0x75: {  	_ =	shalt  }
0x76: {  	_ =	shalt  }
0x77: {  	_ =	shalt  }
0x78: {  	_ =	shalt  }
0x79: {  	_ =	shalt  }
0x7a: {  	_ =	shalt  }
0x7b: {  	_ =	shalt  }
0x7c: {  	_ =	shalt  }
0x7d: {  	_ =	shalt  }
0x7e: {  	_ =	shalt  }
0x7f: {  	_ =	shalt  }
0x80: {  	_ =	shalt  }
0x81: {  	_ =	shalt  }
0x82: {  	_ =	shalt  }
0x83: {  	_ =	shalt  }
0x84: {  	_ =	shalt  }
0x85: {  	_ =	shalt  }
0x86: {  	_ =	shalt  }
0x87: {  	_ =	shalt  }
.Lfunc_end0:
.L_simem_size_0:
called_computation_lowered:
.L_overlay_start_0:
0x88: {  	s2 =	sld [smem:$0x3FD9]  }
0x89: {  	s3 =	sld [smem:$0x3FFE];
	_ =	sdelay $0x1  }
0x8a: {  	s1 =	srdreg.scid  }
0x8b: {  	s0 =	sand.u32 $0x1, s1  }
0x8c: {  	s17 =	sshll.u32 s0, $0xA;
	s2 =	sadd.s32 s3, s2  }
0x8d: {  	s2 =	sadd.s32 s2, s17  }
0x8e: {  	[smem:$0x3FC2] =	sst s2  }
0x8f: {  	_ = 	snop  }
0x90: {  	s2 =	sld [smem:$0x3FD0];
	(tm) =	ssettm $0x1  }
0x91: {  	s18 =	sld [smem:$0x3FFB];
	_ =	sdelay $0x3  }
0x92: {  	_ =	strace s18  }
0x93: {  	s3 =	sld [smem:$0x3FFC];
	_ =	sdelay $0x3  }
0x94: {  	_ =	strace s3  }
0x95: {  	s3 =	sld [smem:$0x3FFD];
	_ =	sdelay $0x3  }
0x96: {  	_ =	strace s3  }
0x97: {  	_ =	strace $0x8FFFFFFF  }
0x98: {  	s19 =	sld [smem:$0x3FDB];
	_ =	sdelay $0x1  }
0x99: {  	s4 =	simm.s32 $_scs_section_size  }
0x9a: {  	s5 =	simm.s32 $_size__tile_overlayer_lowered;
	s6 =	simm.s32 $_tile_overlayer_lowered  }
0x9b: {  	s22 =	simm.s32 $0x1BFF;
	s21 =	sshll.u32 s6, $0x1;
	s3 =	sadd.s32 s4, s19  }
0x9c: {  	s7 =	simm.s32 $0x0;
	s20 =	sshll.u32 s5, $0x1;
	s5 =	sadd.s32 s21, s3  }
0x9d: {  	[timem:s7], [sflag:s22] =	dma.local [hbm:s5], s20  }
0x9e: {  	_ =	swait.ge [sflag:s22], s20  }
0x9f: {  	s4 =	ssub.s32 $0x0, s20;
	[sflag:s22] =	ssyncset.done $0x0  }
0xa0: {  	[sflag:s22] =	ssyncadd.s32 s4;
	_ =	sdelay $0x1  }
0xa1: {  	s23 =	simm.s32 $0x1B8B  }
0xa2: {  	_ =	swait.ge [sflag:s23], $0x1  }
0xa3: {  	[sflag:s23] =	ssyncset.done $0x0  }
0xa4: {  	s25 =	simm.s32 $0x1B8E;
	s24 =	sld [smem:$0x3FFE];
	[sflag:s23] =	ssyncadd.s32 $0xFFFFFFFF  }
0xa5: {  	s26 =	simm.s32 $execute0_lowered;
	[smem:$0x3FD2] =	sst s25  }
0xa6: {  	s5 =	sshll.u32 s26, $0x1;
	_ =	strace $0x80000046;
	[dreg:$0x1] =	wrdreg $0xFFFFFFFF  }
0xa7: {  	s28 =	simm.s32 $_size_execute0_lowered;
	s3 =	sadd.s32 s3, s5;
	[dreg:$0x0] =	wrdreg $0x0  }
0xa8: {  	s5 =	sshll.u32 s28, $0x1;
	[dreg:$0x2] =	wrdreg s3  }
0xa9: {  	[dreg:$0x3] =	wrdreg s5  }
0xaa: {  	[dreg:$0x4] =	wrdreg $0xC0  }
0xab: {  	_ =	task [dreg:s7], $0x5FFFF  }
0xac: {  	[dreg:$0x1] =	wrdreg $0xFFFFFFFF  }
0xad: {  	[dreg:$0x0] =	wrdreg $0x60  }
0xae: {  	[dreg:$0x2] =	wrdreg s24  }
0xaf: {  	[dreg:$0x3] =	wrdreg s2  }
0xb0: {  	[dreg:$0x4] =	wrdreg $0x9  }
0xb1: {  	_ =	task.clear_ibuf [dreg:s7], $0x5FFFF;
	_ =	strace $0x90000046  }
0xb2: {  	s29 =	simm.s32 $0x9;
	_ =	strace $0x80000048  }
0xb3: {  	_ =	swait.ge [sflag:s29], $0x1  }
0xb4: {  	[sflag:s29] =	ssyncadd.s32 $0xFFFFFFFF  }
0xb5: {  	_ =	strace $0x90000048  }
0xb6: {  	_ =	sfence  }
0xb7: {  	s30 =	sld [smem:$0x0];
	_ =	sdelay $0x2  }
0xb8: {  	s31 =	sshll.u32 s1, $0xD;
	s1 =	sshrl.u32 s1, $0x2  }
0xb9: {  	s3 =	sand.u32 $0x4000, s31;
	s1 =	sadd.s32 s1, s30  }
0xba: {  	s0 =	sor.u32 s3, s0;
	s1 =	sshll.u32 s1, $0x11  }
0xbb: {  	s0 =	sor.u32 s1, s0  }
0xbc: {  	s0 =	sadd.s32 $0x8F2B, s0  }
0xbd: {  	[sflag:s0] =	ssyncadd.remote.s32 $0x1  }
0xbe: {  	_ =	sfence.sel $0xFFFF  }
0xbf: {  	[dreg:$0x0] =	wrdreg $0xFFFFFFFF;
	(pc) =	sbr.abs _section_cstart, $3  }
0xc0: {  	[dreg:$0x1] =	wrdreg $0xFFFFFFFF  }
0xc1: {  	_ =	task.clear_ibuf [dreg:s7], $0x2FFFF;
	_ =	strace $0x9FFFFFFF  }
0xc2: {  	(tm) =	ssettm $0x7FFFFFFF  }
0xc3: {  	_ =	shalt  }
tec
execute0_lowered:
.L_overlay_start_1:
0x0: {  	(tag) =	ssettag $0x1  }
0x1: {  	s1 =	srdreg.scid  }
0x2: {  	s0 =	stileid.u32;
	s13 =	sand.u32 $0x1, s1  }
0x3: {  	s10 =	rddreg [dreg:$0x0];
	s31 =	sshll.u32 s0, $0x6;
	s3 =	sshll.u32 s13, $0x5  }
0x4: {  	s2 =	rddreg [dreg:$0x1];
	s11 =	sor.u32 s3, s31  }
0x5: {  	s1 =	rddreg [dreg:$0x2];
	s3 =	simm.s32 $0x0;
	s4 =	sshrl.u32 s11, $0x3  }
0x6: {  	[smem:$0x7FF] =	sst s3;
	s12 =	sadd.s32 s4, s10  }
0x7: {  	_ =	strace $0x80000047;
	s4 =	simm.s32 $0x2;
	s5 =	sadd.s32 $0x1C00, s12  }
0x8: {  	[tilespmem:s3], [sflag:$0x2] =	stream.linear.gather [hbm4b:s5+s3], $0x20, $0x38;
	[tilespmem:$0x2100] =	vst v63  }
0x9: {  	_ =	swait.ge [sflag:s4], $0x20  }
0xa: {  	s7 =	simm.s32 $0x20;
	s8 =	simm.s32 $0x80;
	[sflag:s4] =	ssyncset.done $0x0  }
0xb: {  	s9 =	simm.s32 $0x1;
	s6 =	sadd.s32 $0x1E00, s10;
	[sflag:s4] =	ssyncadd.s32 $0xFFFFFFE0  }
0xc: {  	[tilespmem:s8], [sflag:$0x1] =	stream.indirect.gather [hbm4b:s6+s7], $0x80, s3, s7, $0xb8;
	[tilespmem:$0x2100] =	vst v63  }
0xd: {  	s11 =	sshll.u32 s11, $0x4;
	_ =	swait.ge [sflag:s9], $0x1000  }
0xe: {  	s14 =	sadd.s32 s11, s10;
	[sflag:s9] =	ssyncset.done $0x0  }
0xf: {  	s10 =	sadd.s32 $0x3000, s14;
	[sflag:s9] =	ssyncadd.s32 $0xFFFFF000  }
0x10: {  	[hbm4b:s10+s3] =	stream.linear.scatter [tilespmem:s8], [sflag:$0x2], $0x1000, $0x38;
	[tilespmem:$0x2100] =	vst v63  }
0x11: {  	_ =	swait.ge [sflag:s4], $0x1000  }
0x12: {  	s15 =	ssub.s32 $0x2, s13;
	[sflag:s4] =	ssyncset.done $0x0  }
0x13: {  	s11 =	sadd.s32 $0x1A00, s12;
	s12 =	simm.s32 $0x1080;
	[sflag:s4] =	ssyncadd.s32 $0xFFFFF000  }
0x14: {  	[tilespmem:s12], [sflag:$0x2] =	stream.linear.gather [hbm4b:s11+s3], $0x20, $0x38;
	[tilespmem:$0x2100] =	vst v63  }
0x15: {  	s16 =	sshrl.u32 s15, $0x1;
	_ =	swait.ge [sflag:s4], $0x20  }
0x16: {  	s15 =	ssub.s32 s15, s16;
	[sflag:s4] =	ssyncset.done $0x0  }
0x17: {  	s13 =	simm.s32 $0x1100;
	s15 =	smax.u32 s15, $0x1;
	[sflag:s4] =	ssyncadd.s32 $0xFFFFFFE0  }
0x18: {  	[tilespmem:s13], [sflag:$0x1] =	stream.indirect.gather [hbm4b:s2+s7], $0x80, s12, s7, $0xb8;
	[tilespmem:$0x2100] =	vst v63  }
0x19: {  	p0 =	sne.s32 s15, $0x1;
	_ =	swait.ge [sflag:s9], $0x1000  }
.Ltmp0:
0x1a: {  	[sflag:s9] =	ssyncset.done $0x0;
	(pc) =	sbr.rel @!p0 .LBB2_2-.Ltmp0, $4  }
0x1b: {  	s14 =	sadd.s32 $0x7000, s14;
	[sflag:s9] =	ssyncadd.s32 $0xFFFFF000  }
0x1c: {  	[hbm4b:s14+s3] =	stream.linear.scatter [tilespmem:s13], [sflag:$0x2], $0x1000, $0x38;
	[tilespmem:$0x2100] =	vst v63  }
0x1d: {  	_ =	swait.ge [sflag:s4], $0x1000  }
0x1e: {  	s15 =	sadd.s32 $0xFFFFFFFF, s15;
	[sflag:s4] =	ssyncset.done $0x0  }
.LBB2_1:
0x1f: {  	p0 =	sne.s32 s15, $0x1;
	s15 =	sadd.s32 $0xFFFFFFFF, s15;
	[sflag:s4] =	ssyncadd.s32 $0xFFFFF000  }
0x20: {  	[tilespmem:s3], [sflag:$0x2] =	stream.linear.gather [hbm4b:s5+s3], $0x20, $0x38;
	[tilespmem:$0x2100] =	vst v63  }
0x21: {  	_ =	swait.ge [sflag:s4], $0x20  }
0x22: {  	[sflag:s4] =	ssyncset.done $0x0  }
0x23: {  	[sflag:s4] =	ssyncadd.s32 $0xFFFFFFE0  }
0x24: {  	[tilespmem:s8], [sflag:$0x1] =	stream.indirect.gather [hbm4b:s6+s7], $0x80, s3, s7, $0xb8;
	[tilespmem:$0x2100] =	vst v63  }
0x25: {  	_ =	swait.ge [sflag:s9], $0x1000  }
0x26: {  	[sflag:s9] =	ssyncset.done $0x0  }
0x27: {  	[sflag:s9] =	ssyncadd.s32 $0xFFFFF000  }
0x28: {  	[hbm4b:s10+s3] =	stream.linear.scatter [tilespmem:s8], [sflag:$0x2], $0x1000, $0x38;
	[tilespmem:$0x2100] =	vst v63  }
0x29: {  	_ =	swait.ge [sflag:s4], $0x1000  }
0x2a: {  	[sflag:s4] =	ssyncset.done $0x0  }
0x2b: {  	[sflag:s4] =	ssyncadd.s32 $0xFFFFF000  }
0x2c: {  	[tilespmem:s12], [sflag:$0x2] =	stream.linear.gather [hbm4b:s11+s3], $0x20, $0x38;
	[tilespmem:$0x2100] =	vst v63  }
0x2d: {  	_ =	swait.ge [sflag:s4], $0x20  }
0x2e: {  	[sflag:s4] =	ssyncset.done $0x0  }
0x2f: {  	[sflag:s4] =	ssyncadd.s32 $0xFFFFFFE0  }
0x30: {  	[tilespmem:s13], [sflag:$0x1] =	stream.indirect.gather [hbm4b:s2+s7], $0x80, s12, s7, $0xb8;
	[tilespmem:$0x2100] =	vst v63  }
0x31: {  	_ =	swait.ge [sflag:s9], $0x1000  }
.Ltmp1:
0x32: {  	[sflag:s9] =	ssyncset.done $0x0;
	(pc) =	sbr.rel @p0 .LBB2_1-.Ltmp1, $4  }
0x33: {  	[sflag:s9] =	ssyncadd.s32 $0xFFFFF000  }
0x34: {  	[hbm4b:s14+s3] =	stream.linear.scatter [tilespmem:s13], [sflag:$0x2], $0x1000, $0x38;
	[tilespmem:$0x2100] =	vst v63  }
0x35: {  	_ =	swait.ge [sflag:s4], $0x1000  }
0x36: {  	[sflag:s4] =	ssyncset.done $0x0  }
.LBB2_2:
0x37: {  	[sflag:s4] =	ssyncadd.s32 $0xFFFFF000  }
0x38: {  	_ =	sfence.sel $0x180000  }
0x39: {  	[bflag:$0x0] =	sbarrier.arrive $0xFFFF  }
0x3a: {  	p0 =	sne.s32 s0, $0x0;
	_ =	strace $0x90000047  }
0x3b: {  	s0 =	sadd.s32 @!p0 $0x100000, s1;
	[bflag:$0x2] =	sbarrier.arrive $0xFFFF  }
0x3c: {  	[sflag:s0] =	ssyncadd.tile.s32 @!p0 $0x1;
	_ =	shalt  }
.Lfunc_end2:
_tile_overlayer_lowered:
.L_overlay_start_2:
0x3d: {  	(tag) =	ssettag $0x2  }
0x3e: {  	s0 =	rddreg [dreg:$0x0];
	s2 =	stileid.u32  }
0x3f: {  	s1 =	rddreg [dreg:$0x1];
	p0 =	sne.s32 s2, $0x0  }
0x40: {  	s3 =	rddreg [dreg:$0x2];
	[bflag:$0x3] =	sbarrier.arrive $0xFFFF;
	s2 =	simm.s32 @!p0 $0x1C02  }
0x41: {  	[timem:s3], [sflag:s2] =	dma.local @!p0 [hbm:s0], s1  }
0x42: {  	s0 =	simm.s32 @!p0 $0x2  }
0x43: {  	_ =	swait.ge @!p0 [sflag:s0], s1  }
0x44: {  	s1 =	ssub.s32 @!p0 $0x0, s1;
	[sflag:s0] =	ssyncset.done @!p0 $0x0  }
0x45: {  	[sflag:s0] =	ssyncadd.s32 @!p0 s1  }
0x46: {  	[bflag:$0x3] =	sbarrier.arrive $0xFFFF  }
0x47: {  	_ =	shalt  }

</sc_bundles>
